<compile_context>
chip_gen: v7x
topology: tpu7x:2x2x1
jax: 0.10.2.dev20260603
libtpu: 0.0.44.dev20260713+nightly
codegen_flags: <defaults>
</compile_context>

<pallas_src>
import functools

import jax
import jax.numpy as jnp
from jax.experimental import pallas as pl


def _probe_kernel(a_ref, h_ref, out_ref, *, bb, n, h):
    out_ref[...] = h_ref[...] + a_ref[:1, :1]


def kernel(A, hidden, mask, W_ein, b_ein, W_eout, b_eout, b_iah, b_oah, w_ih, w_hh, b_ih, b_hh):
    b, n, h = hidden.shape
    bb = 128
    grid = (b // bb,)
    a2 = A.reshape(b, 2 * n * n)
    h2 = hidden.reshape(b * n, h)
    out2 = pl.pallas_call(
        functools.partial(_probe_kernel, bb=bb, n=n, h=h),
        grid=grid,
        in_specs=[
            pl.BlockSpec((bb, 2 * n * n), lambda i: (i, 0)),
            pl.BlockSpec((bb * n, h), lambda i: (i, 0)),
        ],
        out_specs=pl.BlockSpec((bb * n, h), lambda i: (i, 0)),
        out_shape=jax.ShapeDtypeStruct((b * n, h), jnp.float32),
    )(a2, h2)
    return out2.reshape(b, n, h)

# --- scband reference (transcript-rebuilt; emitter-appended) ---
"""Pipeline reference for scband-h3-gnn-64244120814024 (READ-ONLY COPY).

The authoritative reference and input builder live on the scoring server;
editing this copy changes nothing except your own understanding.
"""

import jax, jax.numpy as jnp
import numpy as np

B, N, H = 4096, 20, 128

def setup_inputs(seed: int = 0) -> dict:
    key = jax.random.key(seed)
    ks = jax.random.split(key, 12)
    stdv = 1.0 / np.sqrt(H)
    def u(k, shape):
        return jax.random.uniform(k, shape, minval=-stdv, maxval=stdv, dtype=jnp.float32)
    return {
        "A": jax.random.uniform(ks[0], (B, N, 2 * N), dtype=jnp.float32),
        "hidden": jax.random.normal(ks[1], (B, N, H), dtype=jnp.float32),
        "mask": jnp.ones((B, N), dtype=jnp.float32),
        "W_ein": u(ks[2], (H, H)), "b_ein": u(ks[3], (H,)),
        "W_eout": u(ks[4], (H, H)), "b_eout": u(ks[5], (H,)),
        "b_iah": u(ks[6], (H,)), "b_oah": u(ks[7], (H,)),
        "w_ih": u(ks[8], (3 * H, 2 * H)), "w_hh": u(ks[9], (3 * H, H)),
        "b_ih": u(ks[10], (3 * H,)), "b_hh": u(ks[11], (3 * H,)),
    }

def reference(A, hidden, mask, W_ein, b_ein, W_eout, b_eout, b_iah, b_oah, w_ih, w_hh, b_ih, b_hh):
    # GNN.forward with issrgnn=True -> GNNCell(A, hidden); mask is unused on this path.
    n = A.shape[1]
    h_in = hidden @ W_ein.T + b_ein          # linear_edge_in(hidden)
    h_out = hidden @ W_eout.T + b_eout       # linear_edge_out(hidden)
    input_in = jnp.matmul(A[:, :, :n], h_in) + b_iah
    input_out = jnp.matmul(A[:, :, n:2 * n], h_out) + b_oah
    inputs = jnp.concatenate([input_in, input_out], axis=2)
    gi = inputs @ w_ih.T + b_ih
    gh = hidden @ w_hh.T + b_hh
    i_r, i_i, i_n = jnp.split(gi, 3, axis=2)
    h_r, h_i, h_n = jnp.split(gh, 3, axis=2)
    resetgate = jax.nn.sigmoid(i_r + h_r)
    inputgate = jax.nn.sigmoid(i_i + h_i)
    newgate = jnp.tanh(i_n + resetgate * h_n)
    hy = hidden + inputgate * (newgate - hidden)
    return hy

if __name__ == "__main__":
    import jax
    _d = setup_inputs()
    print(jax.jit(kernel)(*tuple(_d.values())))

</pallas_src>

<mosaic_0001>
module attributes {stable_mosaic.version = 14 : i64} {
  func.func @_probe_kernel(%arg0: i32, %arg1: memref<128x800xf32, #tpu.memory_space<vmem>>, %arg2: memref<2560x128xf32, #tpu.memory_space<vmem>>, %arg3: memref<2560x128xf32, #tpu.memory_space<vmem>>) attributes {dimension_semantics = [#tpu.dimension_semantics<arbitrary>], iteration_bounds = array<i64: 32>, scalar_prefetch = 0 : i64, scratch_operands = 0 : i64, tpu.core_type = #tpu.core_type<tc>, window_params = [{transform_indices = @transform_0, window_bounds = array<i64: 128, 800>}, {transform_indices = @transform_1, window_bounds = array<i64: 2560, 128>}, {transform_indices = @transform_2, window_bounds = array<i64: 2560, 128>}]} {
    %get3A = arith.constant 0 : index
    %get3A_0 = arith.constant 0 : index
    %get3A_1 = vector.load %arg2[%get3A, %get3A_0] : memref<2560x128xf32, #tpu.memory_space<vmem>>, vector<2560x128xf32>
    %get3A_2 = arith.constant 0 : index
    %get3A_3 = arith.constant 0 : index
    %get3A_4 = vector.load %arg1[%get3A_2, %get3A_3] : memref<128x800xf32, #tpu.memory_space<vmem>>, vector<1x1xf32>
    %add3A = vector.broadcast %get3A_4 : vector<1x1xf32> to vector<2560x128xf32>
    %add3A_5 = arith.addf %get3A_1, %add3A : vector<2560x128xf32>
    %swap3A = arith.constant 0 : index
    %swap3A_6 = arith.constant 0 : index
    %swap3A_7 = vector.load %arg3[%swap3A, %swap3A_6] : memref<2560x128xf32, #tpu.memory_space<vmem>>, vector<2560x128xf32>
    tpu.vector_store %arg3[%swap3A, %swap3A_6], %add3A_5 {strides = array<i32>} : memref<2560x128xf32, #tpu.memory_space<vmem>>, vector<2560x128xf32>,
    return
  }
  func.func @transform_0(%arg0: i32) -> (i32, i32) {
    %c0_i32 = arith.constant 0 : i32
    %c0_i32_0 = arith.constant 0 : i32
    return %arg0, %c0_i32 : i32, i32
  }
  func.func @transform_1(%arg0: i32) -> (i32, i32) {
    %c0_i32 = arith.constant 0 : i32
    %c0_i32_0 = arith.constant 0 : i32
    return %arg0, %c0_i32 : i32, i32
  }
  func.func @transform_2(%arg0: i32) -> (i32, i32) {
    %c0_i32 = arith.constant 0 : i32
    %c0_i32_0 = arith.constant 0 : i32
    return %arg0, %c0_i32 : i32, i32
  }
}

</mosaic_0001>

<sc_bundles>
// kernel: sparse-core-data-format-call.cloned.1.call-start
scs
called_computation_lowered:
.L_overlay_start_0:
0x0: {  	s2 =	sld [smem:$0x3FD9]  }
0x1: {  	s3 =	sld [smem:$0x3FFE];
	_ =	sdelay $0x1  }
0x2: {  	s1 =	srdreg.scid  }
0x3: {  	s0 =	sand.u32 $0x1, s1  }
0x4: {  	s18 =	sshll.u32 s0, $0xA;
	s2 =	sadd.s32 s3, s2  }
0x5: {  	s2 =	sadd.s32 s2, s18  }
0x6: {  	[smem:$0x3FC6] =	sst s2  }
0x7: {  	_ = 	snop  }
0x8: {  	s2 =	sld [smem:$0x3FD0];
	(tm) =	ssettm $0x1  }
0x9: {  	s19 =	sld [smem:$0x3FFB];
	_ =	sdelay $0x3  }
0xa: {  	_ =	strace s19  }
0xb: {  	s3 =	sld [smem:$0x3FFC];
	_ =	sdelay $0x3  }
0xc: {  	_ =	strace s3  }
0xd: {  	s3 =	sld [smem:$0x3FFD];
	_ =	sdelay $0x3  }
0xe: {  	_ =	strace s3  }
0xf: {  	_ =	strace $0x8FFFFFFF  }
0x10: {  	s20 =	sld [smem:$0x3FDB];
	_ =	sdelay $0x1  }
0x11: {  	s4 =	simm.s32 $_scs_section_size  }
0x12: {  	s5 =	simm.s32 $_size__tile_overlayer_lowered;
	s6 =	simm.s32 $_tile_overlayer_lowered  }
0x13: {  	s23 =	simm.s32 $0x1BFF;
	s22 =	sshll.u32 s6, $0x1;
	s3 =	sadd.s32 s4, s20  }
0x14: {  	s7 =	simm.s32 $0x0;
	s21 =	sshll.u32 s5, $0x1;
	s5 =	sadd.s32 s22, s3  }
0x15: {  	[timem:s7], [sflag:s23] =	dma.local [hbm:s5], s21  }
0x16: {  	_ =	swait.ge [sflag:s23], s21  }
0x17: {  	s4 =	ssub.s32 $0x0, s21;
	[sflag:s23] =	ssyncset.done $0x0  }
0x18: {  	[sflag:s23] =	ssyncadd.s32 s4;
	_ =	sdelay $0x1  }
0x19: {  	s24 =	simm.s32 $0x1B8B  }
0x1a: {  	_ =	swait.ge [sflag:s24], $0x1  }
0x1b: {  	[sflag:s24] =	ssyncset.done $0x0  }
0x1c: {  	s26 =	simm.s32 $0x1B8E;
	s25 =	sld [smem:$0x3FFE];
	[sflag:s24] =	ssyncadd.s32 $0xFFFFFFFF  }
0x1d: {  	s27 =	simm.s32 $execute0_lowered;
	[smem:$0x3FD2] =	sst s26  }
0x1e: {  	s5 =	sshll.u32 s27, $0x1;
	_ =	strace $0x80000046;
	[dreg:$0x1] =	wrdreg $0xFFFFFFFF  }
0x1f: {  	s28 =	simm.s32 $_size_execute0_lowered;
	s3 =	sadd.s32 s3, s5;
	[dreg:$0x0] =	wrdreg $0x0  }
0x20: {  	s5 =	sshll.u32 s28, $0x1;
	[dreg:$0x2] =	wrdreg s3  }
0x21: {  	[dreg:$0x3] =	wrdreg s5  }
0x22: {  	[dreg:$0x4] =	wrdreg $0xC0  }
0x23: {  	_ =	task [dreg:s7], $0x5FFFF  }
0x24: {  	[dreg:$0x1] =	wrdreg $0xFFFFFFFF  }
0x25: {  	[dreg:$0x0] =	wrdreg $0x60  }
0x26: {  	[dreg:$0x2] =	wrdreg s25  }
0x27: {  	[dreg:$0x3] =	wrdreg s2  }
0x28: {  	[dreg:$0x4] =	wrdreg $0x9  }
0x29: {  	_ =	task.clear_ibuf [dreg:s7], $0x5FFFF;
	_ =	strace $0x90000046  }
0x2a: {  	s29 =	simm.s32 $0x9;
	_ =	strace $0x80000048  }
0x2b: {  	_ =	swait.ge [sflag:s29], $0x1  }
0x2c: {  	[sflag:s29] =	ssyncadd.s32 $0xFFFFFFFF  }
0x2d: {  	_ =	strace $0x90000048  }
0x2e: {  	_ =	sfence  }
0x2f: {  	s30 =	sld [smem:$0x0];
	_ =	sdelay $0x2  }
0x30: {  	s31 =	sshll.u32 s1, $0xD;
	s1 =	sshrl.u32 s1, $0x2  }
0x31: {  	s3 =	sand.u32 $0x4000, s31;
	s1 =	sadd.s32 s1, s30  }
0x32: {  	s0 =	sor.u32 s3, s0;
	s1 =	sshll.u32 s1, $0x11  }
0x33: {  	s0 =	sor.u32 s1, s0  }
0x34: {  	s0 =	sadd.s32 $0x8F2B, s0  }
0x35: {  	[sflag:s0] =	ssyncadd.remote.s32 $0x1  }
0x36: {  	_ =	sfence.sel $0xFFFF  }
0x37: {  	[dreg:$0x0] =	wrdreg $0xFFFFFFFF;
	(pc) =	sbr.abs _section_cstart, $3  }
0x38: {  	[dreg:$0x1] =	wrdreg $0xFFFFFFFF  }
0x39: {  	_ =	task.clear_ibuf [dreg:s7], $0x2FFFF;
	_ =	strace $0x9FFFFFFF  }
0x3a: {  	(tm) =	ssettm $0x7FFFFFFF  }
0x3b: {  	_ =	shalt  }
tec
execute0_lowered:
.L_overlay_start_1:
0x0: {  	(tag) =	ssettag $0x1  }
0x1: {  	s0 =	srdreg.scid  }
0x2: {  	s1 =	sshll.u32 s0, $0x4  }
0x3: {  	s0 =	stileid.u32;
	s1 =	sand.u32 $0x10, s1  }
0x4: {  	s6 =	rddreg [dreg:$0x0];
	s1 =	sor.u32 s0, s1  }
0x5: {  	s4 =	simm.s32 $0x1;
	s7 =	simm.s32 $0x2;
	s2 =	sshll.u32 s1, $0x5  }
0x6: {  	s14 =	simm.s32 $0x0;
	s8 =	simm.s32 $0x1000;
	s1 =	ssub.s32 $0x1000, s2  }
0x7: {  	s9 =	simm.s32 $0x80000;
	s10 =	simm.s32 $0x0;
	s3 =	sand.u32 $0x3E0, s1  }
0x8: {  	s15 =	simm.s32 $0x0;
	s5 =	sshrl.u32 s1, $0xA;
	p0 =	sne.s32 s3, $0x0  }
.Ltmp0:
0x9: {  	s1 =	rddreg [dreg:$0x2];
	s4 =	simm.s32 @!p0 $0x0;
	(pc) =	sbr.rel .LBB1_1-.Ltmp0, $4  }
0xa: {  	s11 =	simm.s32 $0x0;
	s3 =	rddreg [dreg:$0x1];
	s5 =	sadd.s32 s4, s5  }
0xb: {  	_ =	strace $0x80000047;
	s4 =	simm.s32 $0x1;
	s5 =	smul.u32 $0x5, s5  }
0xc: {  	s13 =	simm.s32 $0x0;
	s6 =	sadd.s32 $0x141400, s6;
	[sflag:s4] =	ssyncpa.u1 $0x0  }
0xd: {  	s12 =	smov.u32 s2;
	[sflag:s7] =	ssyncpa.u1 $0x0;
	s7 =	sadd.s32 $0x1, s5  }
.LBB1_7:
0xe: {  	s16 =	sadd.s32 $0x4, s11  }
0xf: {  	s14 =	sadd.s32 $0x400, s12;
	s18 =	smov.u32 s12;
	p1 =	sgt.s32 s16, $0x13  }
0x10: {  	s18 =	smov.u32 @p1 s14  }
0x11: {  	s16 =	simm.s32 @p1 $0x0;
	p1 =	sgt.s32 s18, $0xFFF  }
0x12: {  	s18 =	smov.u32 @p1 s2;
	p1 =	sne.s32 s13, s7  }
.Ltmp1:
0x13: {  	p0 =	slt.u32 s13, $0x2;
	(pc) =	sbr.rel @!p1 .LBB1_8-.Ltmp1, $4  }
0x14: {  	s17 =	simm.s32 @!p0 $0x2  }
0x15: {  	s15 =	smov.u32 s12;
	s10 =	sadd.s32 $0x4000, s10;
	_ =	swait.ge @!p0 [sflag:s17], $0x4000  }
0x16: {  	s14 =	smov.u32 s11;
	[sflag:s17] =	ssyncset.done @!p0 $0x0;
	s11 =	smov.u32 s16  }
0x17: {  	s13 =	sadd.s32 $0x1, s13;
	[sflag:s17] =	ssyncadd.s32 @!p0 $0xFFFFC000;
	s12 =	smov.u32 s18  }
.LBB1_1:
0x18: {  	p0 =	sge.u32 s13, s5  }
0x19: {  	s16 =	sand.u32 @!p0 $0x1FFFFFF, s11  }
0x1a: {  	s17 =	smulhi.u32 @!p0 $0xAAAAAAB, s16;
	_ =	sdelay $0x1  }
0x1b: {  	s17 =	smul.u32 @!p0 $0x18, s17  }
0x1c: {  	s18 =	sxor.u32 @!p0 $0xFFFFFFFF, s13;
	s19 =	smul.u32 @!p0 $0x180, s12  }
0x1d: {  	s31 =	sadd.s32 $0xFFFFFFFF, s13;
	s18 =	sshll.u32 @!p0 s18, $0xE;
	s16 =	ssub.s32 @!p0 s16, s17  }
0x1e: {  	s17 =	sand.u32 @!p0 $0x4000, s18;
	s18 =	sadd.s32 @!p0 s6, s19;
	s16 =	sshll.u32 @!p0 s16, $0x4  }
0x1f: {  	s19 =	simm.s32 @!p0 $0xC00;
	s16 =	sadd.s32 @!p0 s16, s18;
	s18 =	simm.s32 @!p0 $0x200  }
0x20: {  	[tilespmem:s17], [sflag:$0x1] =	stream.strided.gather @!p0 [hbm4b:s16+s18], $0x4000, s19, s18, $0x38;
	[tilespmem:$0x10000] =	vst v63  }
0x21: {  	p0 =	sge.u32 s31, s5  }
.Ltmp2:
0x22: {  	_ = 	snop;
	(pc) =	sbr.rel @p0 .LBB1_7-.Ltmp2, $1  }
0x23: {  	_ =	sdelay $0x3  }
0x24: {  	s17 =	sand.u32 $0x4000, s10  }
0x25: {  	_ =	swait.ge [sflag:s4], $0x4000;
	s19 =	sshll.u32 s13, $0xE;
	s16 =	sor.u32 $0x8040, s17  }
0x26: {  	s18 =	sor.u32 $0x40, s17;
	[sflag:s4] =	ssyncset.done $0x0;
	s31 =	sand.u32 $0x4000, s19  }
0x27: {  	s19 =	simm.s32 $0x0;
	[sflag:s4] =	ssyncadd.s32 $0xFFFFC000;
	s17 =	sor.u32 $0x8000, s31  }
.LBB1_3:
0x28: {  	v0 =	vmov s18;
	_ =	sdelay $0x3  }
0x29: {  	s21 =	simm.s32 $0x0  }
0x2a: {  	v6 =	vld.idx.msk [tilespmem:v0+s21+$0x30 ss:$0x1], $0xffff  }
0x2b: {  	v7 =	vld.idx.msk [tilespmem:v0+s21+$0xFFFFFFC0 ss:$0x1], $0xffff  }
0x2c: {  	v5 =	vld.idx.msk [tilespmem:v0+s21+$0xFFFFFFD0 ss:$0x1], $0xffff  }
0x2d: {  	v4 =	vld.idx.msk [tilespmem:v0+s21+$0xFFFFFFE0 ss:$0x1], $0xffff  }
0x2e: {  	v3 =	vld.idx.msk [tilespmem:v0+s21+$0xFFFFFFF0 ss:$0x1], $0xffff  }
0x2f: {  	v1 =	vld.idx.msk [tilespmem:v0+s21+$0x0 ss:$0x1], $0xffff  }
0x30: {  	v2 =	vld.idx.msk [tilespmem:v0+s21+$0x10 ss:$0x1], $0xffff;
	[tilespmem:s16+$0x30] =	vst v6  }
0x31: {  	s20 =	simm.s32 $0x80;
	s22 =	simm.s32 $0x400;
	[tilespmem:s16+$0xFFFFFFC0] =	vst v7;
	v6 =	vld.idx.msk [tilespmem:v0+s21+$0x20 ss:$0x1], $0xffff;
	s21 =	smov.u32 s16  }
.LBB1_4:
0x32: {  	p0 =	sne.s32 s22, $0x600;
	v7 =	vld.idx.msk [tilespmem:v0+s20+$0x30 ss:$0x1], $0xffff;
	[tilespmem:s21+$0xFFFFFFD0] =	vst v5  }
0x33: {  	v8 =	vld.idx.msk [tilespmem:v0+s20+$0xFFFFFFC0 ss:$0x1], $0xffff;
	[tilespmem:s21+$0xFFFFFFE0] =	vst v4  }
0x34: {  	v5 =	vld.idx.msk [tilespmem:v0+s20+$0xFFFFFFD0 ss:$0x1], $0xffff;
	[tilespmem:s21+$0xFFFFFFF0] =	vst v3  }
.Ltmp3:
0x35: {  	v4 =	vld.idx.msk [tilespmem:v0+s20+$0xFFFFFFE0 ss:$0x1], $0xffff;
	[tilespmem:s21+$0x0] =	vst v1;
	(pc) =	sbr.rel @p0 .LBB1_4-.Ltmp3, $4  }
0x36: {  	v3 =	vld.idx.msk [tilespmem:v0+s20+$0xFFFFFFF0 ss:$0x1], $0xffff;
	[tilespmem:s21+$0x10] =	vst v2  }
0x37: {  	v1 =	vld.idx.msk [tilespmem:v0+s20+$0x0 ss:$0x1], $0xffff;
	[tilespmem:s21+$0x20] =	vst v6;
	s21 =	sadd.s32 $0x1000, s21  }
0x38: {  	v2 =	vld.idx.msk [tilespmem:v0+s20+$0x10 ss:$0x1], $0xffff;
	[tilespmem:s21+$0x30] =	vst v7  }
0x39: {  	[tilespmem:s21+$0xFFFFFFC0] =	vst v8;
	v6 =	vld.idx.msk [tilespmem:v0+s20+$0x20 ss:$0x1], $0xffff;
	s20 =	sshra.s32 s22, $0x2;
	s22 =	sadd.s32 $0x200, s22  }
0x3a: {  	_ =	sdelay $0x2  }
0x3b: {  	[tilespmem:s21+$0xFFFFFFD0] =	vst v5  }
0x3c: {  	v56 =	vld.idx.msk [tilespmem:v0+s20+$0x30 ss:$0x1], $0xffff;
	[tilespmem:s21+$0xFFFFFFE0] =	vst v4  }
0x3d: {  	v57 =	vld.idx.msk [tilespmem:v0+s20+$0xFFFFFFC0 ss:$0x1], $0xffff;
	[tilespmem:s21+$0xFFFFFFF0] =	vst v3  }
0x3e: {  	v58 =	vld.idx.msk [tilespmem:v0+s20+$0xFFFFFFD0 ss:$0x1], $0xffff;
	[tilespmem:s21+$0x0] =	vst v1  }
0x3f: {  	v59 =	vld.idx.msk [tilespmem:v0+s20+$0xFFFFFFE0 ss:$0x1], $0xffff;
	[tilespmem:s21+$0x10] =	vst v2  }
0x40: {  	v60 =	vld.idx.msk [tilespmem:v0+s20+$0xFFFFFFF0 ss:$0x1], $0xffff;
	s31 =	sadd.s32 $0x1000, s21;
	[tilespmem:s21+$0x20] =	vst v6  }
0x41: {  	v61 =	vld.idx.msk [tilespmem:v0+s20+$0x0 ss:$0x1], $0xffff;
	[tilespmem:s31+$0x30] =	vst v56  }
0x42: {  	v62 =	vld.idx.msk [tilespmem:v0+s20+$0x10 ss:$0x1], $0xffff;
	s19 =	sadd.s32 $0x1, s19;
	[tilespmem:s31+$0xFFFFFFC0] =	vst v57  }
0x43: {  	v63 =	vld.idx.msk [tilespmem:v0+s20+$0x20 ss:$0x1], $0xffff;
	p0 =	sne.s32 s19, $0x20;
	[tilespmem:s31+$0xFFFFFFD0] =	vst v58  }
.Ltmp4:
0x44: {  	[tilespmem:s31+$0xFFFFFFE0] =	vst v59;
	(pc) =	sbr.rel @p0 .LBB1_3-.Ltmp4, $4  }
0x45: {  	[tilespmem:s31+$0xFFFFFFF0] =	vst v60  }
0x46: {  	[tilespmem:s31+$0x0] =	vst v61  }
0x47: {  	[tilespmem:s31+$0x10] =	vst v62  }
0x48: {  	s16 =	sadd.s32 $0x80, s16;
	s18 =	sadd.s32 $0x200, s18;
	[tilespmem:s31+$0x20] =	vst v63  }
.Ltmp5:
0x49: {  	s15 =	sshll.u32 s15, $0x4;
	(pc) =	sbr.rel .LBB1_7-.Ltmp5, $4  }
0x4a: {  	s15 =	sand.u32 $0xFFF0, s15  }
0x4b: {  	s14 =	sshll.u32 s14, $0x10;
	s15 =	sadd.s32 s3, s15  }
0x4c: {  	s14 =	sadd.s32 s14, s15  }
0x4d: {  	[hbm4b:s14+s8] =	stream.strided.scatter [tilespmem:s17], [sflag:$0x2], $0x4000, s9, s8, $0x38;
	[tilespmem:$0x10000] =	vst v63  }
.LBB1_8:
0x4e: {  	_ =	sfence.sel $0x180000  }
0x4f: {  	s2 =	simm.s32 $0x1;
	[bflag:$0x0] =	sbarrier.arrive $0xFFFF  }
0x50: {  	s31 =	simm.s32 $0x2;
	[sflag:s2] =	ssyncpa.u1 $0x1  }
0x51: {  	[sflag:s31] =	ssyncpa.u1 $0x1  }
0x52: {  	p0 =	sne.s32 s0, $0x0;
	_ =	strace $0x90000047  }
0x53: {  	s0 =	sadd.s32 @!p0 $0x100000, s1;
	[bflag:$0x2] =	sbarrier.arrive $0xFFFF  }
0x54: {  	[sflag:s0] =	ssyncadd.tile.s32 @!p0 $0x1;
	_ =	shalt  }
.Lfunc_end1:
_tile_overlayer_lowered:
.L_overlay_start_2:
0x55: {  	(tag) =	ssettag $0x2  }
0x56: {  	s0 =	rddreg [dreg:$0x0];
	s2 =	stileid.u32  }
0x57: {  	s1 =	rddreg [dreg:$0x1];
	p0 =	sne.s32 s2, $0x0  }
0x58: {  	s3 =	rddreg [dreg:$0x2];
	[bflag:$0x3] =	sbarrier.arrive $0xFFFF;
	s2 =	simm.s32 @!p0 $0x1C01  }
0x59: {  	[timem:s3], [sflag:s2] =	dma.local @!p0 [hbm:s0], s1  }
0x5a: {  	s0 =	simm.s32 @!p0 $0x1  }
0x5b: {  	_ =	swait.ge @!p0 [sflag:s0], s1  }
0x5c: {  	s1 =	ssub.s32 @!p0 $0x0, s1;
	[sflag:s0] =	ssyncset.done @!p0 $0x0  }
0x5d: {  	[sflag:s0] =	ssyncadd.s32 @!p0 s1  }
0x5e: {  	[bflag:$0x3] =	sbarrier.arrive $0xFFFF  }
0x5f: {  	_ =	shalt  }

</sc_bundles>
